<compile_context>
chip_gen: v7x
topology: tpu7x:2x2x1
jax: 0.10.2.dev20260603
libtpu: 0.0.44.dev20260713+nightly
codegen_flags: <defaults>
</compile_context>

<pallas_src>
import jax
import jax.numpy as jnp
from jax import lax
from jax.experimental import pallas as pl
from jax.experimental.pallas import tpu as pltpu
from jax.experimental.pallas import tpu_sc as plsc

N = 10000
E = 160000
F = 256
FH = 128
NCLS = 64
NC, NS = 2, 16
NW = NC * NS
CH = 128
IBLK = 8
NPAD = 10240
DUMMY = N
EP = 163840
NCHUNK = EP // CH
SCHUNK = NCHUNK // NS
SCC = 64
SNCHUNK = EP // SCC
STILE = SNCHUNK // NS
SIB = 16
SNBUF = 4
SLAG = 3
ZROWS = NPAD // NS
HR = NPAD // 128
EBLK = 1024
EDT = EP // NS
ERT = EP // NW
BK = 2048

_mesh = plsc.VectorSubcoreMesh(core_axis_name="c", subcore_axis_name="s")
_no_layout = pltpu.CompilerParams(needs_layout_passes=False)


def _deg_body(src_hbm, dst_hbm, ident_hbm, deg_hbm,
              deg_sh, hist_v, idx_v, ident_v):
    c = lax.axis_index("c")
    s = lax.axis_index("s")

    def zrow(i, _):
        for g in range(8):
            hist_v[i, pl.ds(g * 16, 16)] = jnp.zeros((16,), jnp.float32)
        return 0
    lax.fori_loop(0, HR, zrow, 0)

    rb = s * 8

    @pl.when(s < HR // 8)
    def _():
        pltpu.sync_copy(hist_v.at[pl.ds(0, 8)], deg_sh.at[pl.ds(rb, 8)])

    pltpu.sync_copy(ident_hbm, ident_v)
    plsc.subcore_barrier()

    ebase = s * EDT
    ones16 = jnp.full((16,), 1.0, jnp.float32)

    def scat(idx_hbm):
        def blk(b, _):
            pltpu.sync_copy(idx_hbm.at[pl.ds(ebase + b * EBLK, EBLK)], idx_v)
            def grp(g, _):
                idx16 = idx_v[pl.ds(g * 16, 16)]
                hi = jnp.right_shift(idx16, 7)
                lo = jnp.bitwise_and(idx16, 127)
                plsc.addupdate_scatter(hist_v, [hi, lo], ones16)
                return 0
            lax.fori_loop(0, EBLK // 16, grp, 0)
            return 0
        lax.fori_loop(0, EDT // EBLK, blk, 0)

    @pl.when(c == 0)
    def _():
        scat(src_hbm)

    @pl.when(c == 1)
    def _():
        scat(dst_hbm)

    pltpu.sync_copy(hist_v, deg_sh.at[ident_v], add=True)
    plsc.subcore_barrier()

    @pl.when(s < HR // 8)
    def _():
        pltpu.sync_copy(deg_sh.at[pl.ds(rb, 8)], hist_v.at[pl.ds(0, 8)])
        pltpu.sync_copy(hist_v.at[pl.ds(0, 8)], deg_hbm.at[c, pl.ds(rb, 8)])


@jax.jit
def _deg_call(src_flat, dst_flat, ident):
    f = pl.kernel(
        _deg_body,
        out_type=jax.ShapeDtypeStruct((NC, HR, 128), jnp.float32),
        mesh=_mesh,
        compiler_params=_no_layout,
        scratch_types=[
            pltpu.VMEM_SHARED((HR, 128), jnp.float32),
            pltpu.VMEM((HR, 128), jnp.float32),
            pltpu.VMEM((EBLK,), jnp.int32),
            pltpu.VMEM((HR,), jnp.int32),
        ],
    )
    return f(src_flat, dst_flat, ident)


def _norm_body(x_ref, dego_ref, degi_ref, xs0_ref, xs1_ref, ns_ref, nd_ref):
    ns = lax.rsqrt(jnp.clip(dego_ref[...], 1.0, None))
    nd = lax.rsqrt(jnp.clip(degi_ref[...], 1.0, None))
    ns_ref[...] = ns
    nd_ref[...] = nd
    xs = x_ref[...] * ns
    xs0_ref[...] = xs[:, :FH]
    xs1_ref[...] = xs[:, FH:]


_norm_call = pl.pallas_call(
    _norm_body,
    grid=(NPAD // BK,),
    in_specs=[
        pl.BlockSpec((BK, F), lambda i: (i, 0)),
        pl.BlockSpec((BK, 1), lambda i: (i, 0)),
        pl.BlockSpec((BK, 1), lambda i: (i, 0)),
    ],
    out_specs=[
        pl.BlockSpec((BK, FH), lambda i: (i, 0)),
        pl.BlockSpec((BK, FH), lambda i: (i, 0)),
        pl.BlockSpec((BK, 1), lambda i: (i, 0)),
        pl.BlockSpec((BK, 1), lambda i: (i, 0)),
    ],
    out_shape=[
        jax.ShapeDtypeStruct((NPAD, FH), jnp.float32),
        jax.ShapeDtypeStruct((NPAD, FH), jnp.float32),
        jax.ShapeDtypeStruct((NPAD, 1), jnp.float32),
        jax.ShapeDtypeStruct((NPAD, 1), jnp.float32),
    ],
)


def _agg_body(xs0_hbm, xs1_hbm, src_hbm, dst_hbm, zeros_hbm,
              s0_hbm, s1_hbm, S_sh, sidx_v, didx_v, sidx2_v, didx2_v,
              isem_a, isem_b, *ring):
    c = lax.axis_index("c")
    s = lax.axis_index("s")
    zb = s * ZROWS
    bufs = list(ring[:SNBUF])
    gsem = list(ring[SNBUF:2 * SNBUF])
    ssem = list(ring[2 * SNBUF:3 * SNBUF])
    g0 = bufs[0]

    pltpu.sync_copy(zeros_hbm, g0)

    def zero_step(k, _):
        pltpu.sync_copy(g0, S_sh.at[pl.ds(zb + k * SCC, SCC)])
        return 0
    lax.fori_loop(0, ZROWS // SCC, zero_step, 0)
    plsc.subcore_barrier()

    rowb = s * STILE
    NBLK = STILE // SIB

    def s_phase(xs_hbm):
        def drain_scat(b, rowref):
            pltpu.make_async_copy(bufs[b], S_sh.at[rowref], ssem[b]).wait()

        def drain_idx(isem, rows, sref, dref):
            pltpu.make_async_copy(src_hbm.at[rows], sref, isem).wait()
            pltpu.make_async_copy(dst_hbm.at[rows], dref, isem).wait()

        def blk_body(bid, scur, dcur, snext, dnext, isem_cur, isem_next,
                     drain_cur_pred, prefetch_pred):
            @pl.when(drain_cur_pred)
            def _():
                drain_idx(isem_cur, pl.ds(rowb + bid * SIB, SIB), scur, dcur)

            gd = [None] * SNBUF
            for k in range(SIB):
                b = k % SNBUF
                if k >= SNBUF:
                    drain_scat(b, dcur.at[0])
                else:
                    @pl.when(bid > 0)
                    def _(b=b):
                        drain_scat(b, dcur.at[0])
                if k == SNBUF:
                    @pl.when(prefetch_pred)
                    def _():
                        rows = pl.ds(rowb + (bid + 1) * SIB, SIB)
                        pltpu.async_copy(src_hbm.at[rows], snext, isem_next)
                        pltpu.async_copy(dst_hbm.at[rows], dnext, isem_next)
                gd[b] = pltpu.async_copy(xs_hbm.at[scur.at[k]], bufs[b], gsem[b])
                if k >= SLAG:
                    pb = (k - SLAG) % SNBUF
                    gd[pb].wait()
                    pltpu.async_copy(bufs[pb], S_sh.at[dcur.at[k - SLAG]],
                                     ssem[pb], add=True)
            for t in range(SLAG):
                kk = SIB - SLAG + t
                pb = kk % SNBUF
                gd[pb].wait()
                pltpu.async_copy(bufs[pb], S_sh.at[dcur.at[kk]], ssem[pb],
                                 add=True)

        pltpu.sync_copy(src_hbm.at[pl.ds(rowb, SIB)], sidx_v)
        pltpu.sync_copy(dst_hbm.at[pl.ds(rowb, SIB)], didx_v)

        def blkpair(bp, _):
            b0 = 2 * bp
            blk_body(b0, sidx_v, didx_v, sidx2_v, didx2_v, isem_a, isem_b,
                     bp > 0, b0 + 1 < NBLK)
            blk_body(b0 + 1, sidx2_v, didx2_v, sidx_v, didx_v, isem_b, isem_a,
                     b0 + 1 < NBLK, b0 + 2 < NBLK)
            return 0
        lax.fori_loop(0, NBLK // 2, blkpair, 0)
        for b in range(SNBUF):
            drain_scat(b, didx_v.at[0])

    @pl.when(c == 0)
    def _():
        s_phase(xs0_hbm)

    @pl.when(c == 1)
    def _():
        s_phase(xs1_hbm)

    plsc.subcore_barrier()

    def wout_step(k, _):
        pltpu.sync_copy(S_sh.at[pl.ds(zb + k * SCC, SCC)], g0)

        @pl.when(c == 0)
        def _():
            pltpu.sync_copy(g0, s0_hbm.at[pl.ds(zb + k * SCC, SCC)])

        @pl.when(c == 1)
        def _():
            pltpu.sync_copy(g0, s1_hbm.at[pl.ds(zb + k * SCC, SCC)])

        return 0
    lax.fori_loop(0, ZROWS // SCC, wout_step, 0)


@jax.jit
def _agg_call(xs0, xs1, src2d, dst2d, zeros64):
    f = pl.kernel(
        _agg_body,
        out_type=[
            jax.ShapeDtypeStruct((NPAD, FH), jnp.float32),
            jax.ShapeDtypeStruct((NPAD, FH), jnp.float32),
        ],
        mesh=_mesh,
        scratch_types=(
            [
                pltpu.VMEM_SHARED((NPAD, FH), jnp.float32),
                pltpu.VMEM((SIB, SCC), jnp.int32),
                pltpu.VMEM((SIB, SCC), jnp.int32),
                pltpu.VMEM((SIB, SCC), jnp.int32),
                pltpu.VMEM((SIB, SCC), jnp.int32),
                pltpu.SemaphoreType.DMA,
                pltpu.SemaphoreType.DMA,
            ]
            + [pltpu.VMEM((SCC, FH), jnp.float32)] * SNBUF
            + [pltpu.SemaphoreType.DMA] * (2 * SNBUF)
        ),
    )
    return f(xs0, xs1, src2d, dst2d, zeros64)


def _r_body(nd_hbm, src_hbm, dst_hbm, ident_hbm, rp_hbm,
            r_sh, hist_v, nd_v, sidx_v, didx_v, ident_v):
    c = lax.axis_index("c")
    s = lax.axis_index("s")
    w = s * NC + c

    def zrow(i, _):
        for g in range(8):
            hist_v[i, pl.ds(g * 16, 16)] = jnp.zeros((16,), jnp.float32)
        return 0
    lax.fori_loop(0, HR, zrow, 0)

    rb = s * 8

    @pl.when(s < HR // 8)
    def _():
        pltpu.sync_copy(hist_v.at[pl.ds(0, 8)], r_sh.at[pl.ds(rb, 8)])

    pltpu.sync_copy(nd_hbm, nd_v)
    pltpu.sync_copy(ident_hbm, ident_v)
    plsc.subcore_barrier()

    ebase = w * ERT

    def blk(b, _):
        pltpu.sync_copy(src_hbm.at[pl.ds(ebase + b * EBLK, EBLK)], sidx_v)
        pltpu.sync_copy(dst_hbm.at[pl.ds(ebase + b * EBLK, EBLK)], didx_v)
        def grp(g, _):
            s16 = sidx_v[pl.ds(g * 16, 16)]
            d16 = didx_v[pl.ds(g * 16, 16)]
            vals = plsc.load_gather(nd_v, [d16])
            hi = jnp.right_shift(s16, 7)
            lo = jnp.bitwise_and(s16, 127)
            plsc.addupdate_scatter(hist_v, [hi, lo], vals)
            return 0
        lax.fori_loop(0, EBLK // 16, grp, 0)
        return 0
    lax.fori_loop(0, ERT // EBLK, blk, 0)

    pltpu.sync_copy(hist_v, r_sh.at[ident_v], add=True)
    plsc.subcore_barrier()

    @pl.when(s < HR // 8)
    def _():
        pltpu.sync_copy(r_sh.at[pl.ds(rb, 8)], hist_v.at[pl.ds(0, 8)])
        pltpu.sync_copy(hist_v.at[pl.ds(0, 8)], rp_hbm.at[c, pl.ds(rb, 8)])


@jax.jit
def _r_call(nd_flat, src_flat, dst_flat, ident):
    f = pl.kernel(
        _r_body,
        out_type=jax.ShapeDtypeStruct((NC, HR, 128), jnp.float32),
        mesh=_mesh,
        compiler_params=_no_layout,
        scratch_types=[
            pltpu.VMEM_SHARED((HR, 128), jnp.float32),
            pltpu.VMEM((HR, 128), jnp.float32),
            pltpu.VMEM((NPAD,), jnp.float32),
            pltpu.VMEM((EBLK,), jnp.int32),
            pltpu.VMEM((EBLK,), jnp.int32),
            pltpu.VMEM((HR,), jnp.int32),
        ],
    )
    return f(nd_flat, src_flat, dst_flat, ident)


def _final_body(s0_ref, s1_ref, nd_ref, ns_ref, rp0_ref, rp1_ref,
                w1_ref, b1_ref, w2_ref, b2_ref, out_ref, acc):
    i = pl.program_id(0)

    @pl.when(i == 0)
    def _():
        acc[...] = jnp.zeros_like(acc)

    sblk = jnp.concatenate([s0_ref[...], s1_ref[...]], axis=1)
    o = jnp.dot(sblk, w1_ref[...], preferred_element_type=jnp.float32)
    h = jnp.maximum(o * nd_ref[...] + b1_ref[...], 0.0)
    r = rp0_ref[...] + rp1_ref[...]
    cvec = ns_ref[...] * r
    rowid = i * BK + lax.broadcasted_iota(jnp.int32, (BK, 1), 0)
    cvec = jnp.where(rowid < N, cvec, 0.0)
    acc[...] += lax.dot_general(cvec, h, (((0,), (0,)), ((), ())),
                                preferred_element_type=jnp.float32)

    @pl.when(i == NPAD // BK - 1)
    def _():
        out_ref[...] = jnp.dot(acc[...] * (1.0 / N), w2_ref[...],
                               preferred_element_type=jnp.float32) + b2_ref[...]


_final_call = pl.pallas_call(
    _final_body,
    grid=(NPAD // BK,),
    in_specs=[
        pl.BlockSpec((BK, FH), lambda i: (i, 0)),
        pl.BlockSpec((BK, FH), lambda i: (i, 0)),
        pl.BlockSpec((BK, 1), lambda i: (i, 0)),
        pl.BlockSpec((BK, 1), lambda i: (i, 0)),
        pl.BlockSpec((BK, 1), lambda i: (i, 0)),
        pl.BlockSpec((BK, 1), lambda i: (i, 0)),
        pl.BlockSpec((F, F), lambda i: (0, 0)),
        pl.BlockSpec((1, F), lambda i: (0, 0)),
        pl.BlockSpec((F, NCLS), lambda i: (0, 0)),
        pl.BlockSpec((1, NCLS), lambda i: (0, 0)),
    ],
    out_specs=pl.BlockSpec((1, NCLS), lambda i: (0, 0)),
    out_shape=jax.ShapeDtypeStruct((1, NCLS), jnp.float32),
    scratch_shapes=[pltpu.VMEM((1, F), jnp.float32)],
)


def kernel(x, edge_index, W1, b1, W2, b2):
    src = edge_index[0].astype(jnp.int32)
    dst = edge_index[1].astype(jnp.int32)
    pad = jnp.full((EP - E,), DUMMY, jnp.int32)
    src_flat = jnp.concatenate([src, pad])
    dst_flat = jnp.concatenate([dst, pad])
    src2d = src_flat.reshape(SNCHUNK, SCC)
    dst2d = dst_flat.reshape(SNCHUNK, SCC)
    x_pad = jnp.pad(x, ((0, NPAD - N), (0, 0)))

    ident = jnp.arange(HR, dtype=jnp.int32)
    zeros64 = jnp.zeros((SCC, FH), jnp.float32)

    degs = _deg_call(src_flat, dst_flat, ident)
    dego_col = degs[0].reshape(NPAD, 1)
    degi_col = degs[1].reshape(NPAD, 1)
    xs0, xs1, ns_col, nd_col = _norm_call(x_pad, dego_col, degi_col)
    s0, s1 = _agg_call(xs0, xs1, src2d, dst2d, zeros64)
    rp = _r_call(nd_col.reshape(NPAD), src_flat, dst_flat, ident)
    out = _final_call(s0, s1, nd_col, ns_col,
                      rp[0].reshape(NPAD, 1), rp[1].reshape(NPAD, 1),
                      W1, b1.reshape(1, F), W2, b2.reshape(1, NCLS))
    return out

# --- scband reference (transcript-rebuilt; emitter-appended) ---
"""Pipeline reference for scband-gcn-50783693308353 (READ-ONLY COPY).

The authoritative reference and input builder live on the scoring server;
editing this copy changes nothing except your own understanding.
"""

import jax, jax.numpy as jnp
import numpy as np

N = 10000
E = 160000
IN_FEATS = 256
H_FEATS = 256
NUM_CLASSES = 64


def setup_inputs(seed: int = 0) -> dict:
    key = jax.random.key(seed)
    k1, k2, k3, k4, k5, k6 = jax.random.split(key, 6)
    x = jax.random.normal(k1, (N, IN_FEATS), dtype=jnp.float32)
    edge_index = jax.random.randint(k2, (2, E), 0, N)
    # GraphConv parameters (xavier-style scale)
    W1 = jax.random.normal(k3, (IN_FEATS, H_FEATS), dtype=jnp.float32) * (1.0 / np.sqrt(IN_FEATS))
    b1 = jnp.zeros((H_FEATS,), dtype=jnp.float32)
    W2 = jax.random.normal(k4, (H_FEATS, NUM_CLASSES), dtype=jnp.float32) * (1.0 / np.sqrt(H_FEATS))
    b2 = jnp.zeros((NUM_CLASSES,), dtype=jnp.float32)
    return {"x": x, "edge_index": edge_index, "W1": W1, "b1": b1, "W2": W2, "b2": b2}


def gcn_conv(x, edge_index, W, b):
    # DGL GraphConv with norm='both':
    #   h = D_in^{-1/2} A D_out^{-1/2} (x W) + b
    src = edge_index[0]
    dst = edge_index[1]
    n = x.shape[0]
    ones = jnp.ones((edge_index.shape[1],), dtype=x.dtype)
    deg_out = jax.ops.segment_sum(ones, src, num_segments=n)
    deg_in = jax.ops.segment_sum(ones, dst, num_segments=n)
    norm_src = jnp.power(jnp.clip(deg_out, 1.0, None), -0.5)
    norm_dst = jnp.power(jnp.clip(deg_in, 1.0, None), -0.5)
    # in_feats >= out_feats: apply weight first (DGL's mult-then-aggregate path)
    h = x @ W
    h = h * norm_src[:, None]
    agg = jax.ops.segment_sum(h[src], dst, num_segments=n)
    out = agg * norm_dst[:, None] + b
    return out


def reference(x, edge_index, W1, b1, W2, b2):
    h = gcn_conv(x, edge_index, W1, b1)
    h = jax.nn.relu(h)
    h = gcn_conv(h, edge_index, W2, b2)
    # dgl.mean_nodes over a single graph -> [1, num_classes]
    return jnp.mean(h, axis=0, keepdims=True)

if __name__ == "__main__":
    import jax
    _d = setup_inputs()
    print(jax.jit(kernel)(*tuple(_d.values())))

</pallas_src>

<mosaic_0001>
#map = affine_map<(d0, d1) -> (0)>
#map1 = affine_map<(d0, d1) -> (0, 0, 0)>
module attributes {stable_mosaic.version = 14 : i64} {
  func.func @_deg_body(%arg0: i32, %arg1: i32, %arg2: memref<163840xi32, #tpu.memory_space<hbm>>, %arg3: memref<163840xi32, #tpu.memory_space<hbm>>, %arg4: memref<80xi32, #tpu.memory_space<hbm>>, %arg5: memref<2x80x128xf32, #tpu.memory_space<hbm>>, %arg6: memref<80x128xf32, #tpu.memory_space<vmem_shared>>, %arg7: memref<80x128xf32, #tpu.memory_space<vmem>>, %arg8: memref<1024xi32, #tpu.memory_space<vmem>>, %arg9: memref<80xi32, #tpu.memory_space<vmem>>) attributes {dimension_semantics = [#tpu.dimension_semantics<core_parallel>, #tpu.dimension_semantics<subcore_parallel>], iteration_bounds = array<i64: 2, 16>, scalar_prefetch = 0 : i64, scratch_operands = 4 : i64, tpu.core_type = #tpu.core_type<sc_vector_subcore>, window_params = [{transform_indices = #map}, {transform_indices = #map}, {transform_indices = #map}, {transform_indices = #map1}]} {
    %scan3A = arith.constant 0 : i32
    %scan3A_0 = arith.constant 0 : i32
    %scan3A_1 = arith.constant 80 : i32
    %scan3A_2 = arith.addi %scan3A_0, %scan3A_1 : i32
    %scan3A_3 = arith.constant 1 : i32
    %scan3A_4 = scf.for %scan3A_27 = %scan3A_0 to %scan3A_2 step %scan3A_3 iter_args(%scan3A_28 = %scan3A) -> (i32)  : i32 {
      %broadcast_in_dim3A_29 = arith.constant 0.000000e+00 : f32
      %broadcast_in_dim3A_30 = vector.broadcast %broadcast_in_dim3A_29 : f32 to vector<16xf32>
      %swap3A = arith.index_cast %scan3A_27 : i32 to index
      %swap3A_31 = arith.constant 0 : index
      %swap3A_32 = tpu.vector_load %arg7[%swap3A, %swap3A_31] {strides = array<i32>} : memref<80x128xf32, #tpu.memory_space<vmem>>, vector<16xf32>,
      tpu.vector_store %arg7[%swap3A, %swap3A_31], %broadcast_in_dim3A_30 {strides = array<i32>} : memref<80x128xf32, #tpu.memory_space<vmem>>, vector<16xf32>,
      %broadcast_in_dim3A_33 = arith.constant 0.000000e+00 : f32
      %broadcast_in_dim3A_34 = vector.broadcast %broadcast_in_dim3A_33 : f32 to vector<16xf32>
      %swap3A_35 = arith.index_cast %scan3A_27 : i32 to index
      %swap3A_36 = arith.constant 16 : index
      %swap3A_37 = tpu.vector_load %arg7[%swap3A_35, %swap3A_36] {strides = array<i32>} : memref<80x128xf32, #tpu.memory_space<vmem>>, vector<16xf32>,
      tpu.vector_store %arg7[%swap3A_35, %swap3A_36], %broadcast_in_dim3A_34 {strides = array<i32>} : memref<80x128xf32, #tpu.memory_space<vmem>>, vector<16xf32>,
      %broadcast_in_dim3A_38 = arith.constant 0.000000e+00 : f32
      %broadcast_in_dim3A_39 = vector.broadcast %broadcast_in_dim3A_38 : f32 to vector<16xf32>
      %swap3A_40 = arith.index_cast %scan3A_27 : i32 to index
      %swap3A_41 = arith.constant 32 : index
      %swap3A_42 = tpu.vector_load %arg7[%swap3A_40, %swap3A_41] {strides = array<i32>} : memref<80x128xf32, #tpu.memory_space<vmem>>, vector<16xf32>,
      tpu.vector_store %arg7[%swap3A_40, %swap3A_41], %broadcast_in_dim3A_39 {strides = array<i32>} : memref<80x128xf32, #tpu.memory_space<vmem>>, vector<16xf32>,
      %broadcast_in_dim3A_43 = arith.constant 0.000000e+00 : f32
      %broadcast_in_dim3A_44 = vector.broadcast %broadcast_in_dim3A_43 : f32 to vector<16xf32>
      %swap3A_45 = arith.index_cast %scan3A_27 : i32 to index
      %swap3A_46 = arith.constant 48 : index
      %swap3A_47 = tpu.vector_load %arg7[%swap3A_45, %swap3A_46] {strides = array<i32>} : memref<80x128xf32, #tpu.memory_space<vmem>>, vector<16xf32>,
      tpu.vector_store %arg7[%swap3A_45, %swap3A_46], %broadcast_in_dim3A_44 {strides = array<i32>} : memref<80x128xf32, #tpu.memory_space<vmem>>, vector<16xf32>,
      %broadcast_in_dim3A_48 = arith.constant 0.000000e+00 : f32
      %broadcast_in_dim3A_49 = vector.broadcast %broadcast_in_dim3A_48 : f32 to vector<16xf32>
      %swap3A_50 = arith.index_cast %scan3A_27 : i32 to index
      %swap3A_51 = arith.constant 64 : index
      %swap3A_52 = tpu.vector_load %arg7[%swap3A_50, %swap3A_51] {strides = array<i32>} : memref<80x128xf32, #tpu.memory_space<vmem>>, vector<16xf32>,
      tpu.vector_store %arg7[%swap3A_50, %swap3A_51], %broadcast_in_dim3A_49 {strides = array<i32>} : memref<80x128xf32, #tpu.memory_space<vmem>>, vector<16xf32>,
      %broadcast_in_dim3A_53 = arith.constant 0.000000e+00 : f32
      %broadcast_in_dim3A_54 = vector.broadcast %broadcast_in_dim3A_53 : f32 to vector<16xf32>
      %swap3A_55 = arith.index_cast %scan3A_27 : i32 to index
      %swap3A_56 = arith.constant 80 : index
      %swap3A_57 = tpu.vector_load %arg7[%swap3A_55, %swap3A_56] {strides = array<i32>} : memref<80x128xf32, #tpu.memory_space<vmem>>, vector<16xf32>,
      tpu.vector_store %arg7[%swap3A_55, %swap3A_56], %broadcast_in_dim3A_54 {strides = array<i32>} : memref<80x128xf32, #tpu.memory_space<vmem>>, vector<16xf32>,
      %broadcast_in_dim3A_58 = arith.constant 0.000000e+00 : f32
      %broadcast_in_dim3A_59 = vector.broadcast %broadcast_in_dim3A_58 : f32 to vector<16xf32>
      %swap3A_60 = arith.index_cast %scan3A_27 : i32 to index
      %swap3A_61 = arith.constant 96 : index
      %swap3A_62 = tpu.vector_load %arg7[%swap3A_60, %swap3A_61] {strides = array<i32>} : memref<80x128xf32, #tpu.memory_space<vmem>>, vector<16xf32>,
      tpu.vector_store %arg7[%swap3A_60, %swap3A_61], %broadcast_in_dim3A_59 {strides = array<i32>} : memref<80x128xf32, #tpu.memory_space<vmem>>, vector<16xf32>,
      %broadcast_in_dim3A_63 = arith.constant 0.000000e+00 : f32
      %broadcast_in_dim3A_64 = vector.broadcast %broadcast_in_dim3A_63 : f32 to vector<16xf32>
      %swap3A_65 = arith.index_cast %scan3A_27 : i32 to index
      %swap3A_66 = arith.constant 112 : index
      %swap3A_67 = tpu.vector_load %arg7[%swap3A_65, %swap3A_66] {strides = array<i32>} : memref<80x128xf32, #tpu.memory_space<vmem>>, vector<16xf32>,
      tpu.vector_store %arg7[%swap3A_65, %swap3A_66], %broadcast_in_dim3A_64 {strides = array<i32>} : memref<80x128xf32, #tpu.memory_space<vmem>>, vector<16xf32>,
      %scan3A_68 = arith.constant 0 : i32
      scf.yield %scan3A_68 : i32
    }
    %scan3A_5 = arith.constant 80 : i32
    %mul3A = arith.constant 8 : i32
    %mul3A_6 = arith.muli %arg1, %mul3A : i32
    %lt3A = arith.constant 10 : i32
    %lt3A_7 = arith.cmpi slt, %arg1, %lt3A : i32
    %convert_element_type3A = arith.extui %lt3A_7 : i1 to i32
    %cond3A = arith.constant 0 : i32
    %cond3A_8 = arith.cmpi ne, %convert_element_type3A, %cond3A : i32
    scf.if %cond3A_8 {
      "tpu.region"() ({
        %run_scoped3A = tpu.sem_alloc : memref<!tpu.dma_semaphore, #tpu.memory_space<semaphore_mem>>
        %dma_start3A = arith.constant 0 : i32
        %dma_start3A_27 = arith.constant 0 : i32
        %dma_start3A_28 = tpu.memref_slice %arg7[%dma_start3A, %dma_start3A_27] : memref<80x128xf32, #tpu.memory_space<vmem>> -> memref<8x128xf32, #tpu.memory_space<vmem>>
        %dma_start3A_29 = arith.constant 0 : i32
        %dma_start3A_30 = tpu.memref_slice %arg6[%mul3A_6, %dma_start3A_29] : memref<80x128xf32, #tpu.memory_space<vmem_shared>> -> memref<8x128xf32, #tpu.memory_space<vmem_shared>>
        %dma_start3A_31 = arith.constant 0 : i32
        %dma_start3A_32 = tpu.memref_slice %arg6[%mul3A_6, %dma_start3A_31] : memref<80x128xf32, #tpu.memory_space<vmem_shared>> -> memref<8x128xf32, #tpu.memory_space<vmem_shared>>
        %dma_start3A_33 = arith.constant 0 : i32
        %dma_start3A_34 = arith.constant 0 : i32
        %dma_start3A_35 = tpu.memref_slice %arg7[%dma_start3A_33, %dma_start3A_34] : memref<80x128xf32, #tpu.memory_space<vmem>> -> memref<8x128xf32, #tpu.memory_space<vmem>>
        tpu.enqueue_dma source(%dma_start3A_35 : memref<8x128xf32, #tpu.memory_space<vmem>>) target(%dma_start3A_32 : memref<8x128xf32, #tpu.memory_space<vmem_shared>>) target_semaphore(%run_scoped3A : memref<!tpu.dma_semaphore, #tpu.memory_space<semaphore_mem>>)
        %dma_wait3A = arith.constant 0 : i32
        %dma_wait3A_36 = arith.constant 0 : i32
        %dma_wait3A_37 = tpu.memref_slice %arg7[%dma_wait3A, %dma_wait3A_36] : memref<80x128xf32, #tpu.memory_space<vmem>> -> memref<8x128xf32, #tpu.memory_space<vmem>>
        %dma_wait3A_38 = arith.constant 0 : i32
        %dma_wait3A_39 = tpu.memref_slice %arg6[%mul3A_6, %dma_wait3A_38] : memref<80x128xf32, #tpu.memory_space<vmem_shared>> -> memref<8x128xf32, #tpu.memory_space<vmem_shared>>
        %dma_wait3A_40 = arith.constant 0 : i32
        %dma_wait3A_41 = tpu.memref_slice %arg6[%mul3A_6, %dma_wait3A_40] : memref<80x128xf32, #tpu.memory_space<vmem_shared>> -> memref<8x128xf32, #tpu.memory_space<vmem_shared>>
        %dma_wait3A_42 = arith.constant 0 : i32
        %dma_wait3A_43 = arith.constant 0 : i32
        %dma_wait3A_44 = tpu.memref_slice %arg7[%dma_wait3A_42, %dma_wait3A_43] : memref<80x128xf32, #tpu.memory_space<vmem>> -> memref<8x128xf32, #tpu.memory_space<vmem>>
        tpu.wait_dma2 semaphore(%run_scoped3A : memref<!tpu.dma_semaphore, #tpu.memory_space<semaphore_mem>>) src(%dma_wait3A_44 : memref<8x128xf32, #tpu.memory_space<vmem>>) dst(%dma_wait3A_41 : memref<8x128xf32, #tpu.memory_space<vmem_shared>>)
        tpu.yield
      }) : () -> ()
    } else {
    }
    "tpu.region"() ({
      %run_scoped3A = tpu.sem_alloc : memref<!tpu.dma_semaphore, #tpu.memory_space<semaphore_mem>>
      tpu.enqueue_dma source(%arg4 : memref<80xi32, #tpu.memory_space<hbm>>) target(%arg9 : memref<80xi32, #tpu.memory_space<vmem>>) target_semaphore(%run_scoped3A : memref<!tpu.dma_semaphore, #tpu.memory_space<semaphore_mem>>)
      tpu.wait_dma2 semaphore(%run_scoped3A : memref<!tpu.dma_semaphore, #tpu.memory_space<semaphore_mem>>) src(%arg4 : memref<80xi32, #tpu.memory_space<hbm>>) dst(%arg9 : memref<80xi32, #tpu.memory_space<vmem>>)
      tpu.yield
    }) : () -> ()
    %barrier3A = arith.constant 0 : index
    tpu.barrier barrier_id(%barrier3A)
    %mul3A_9 = arith.constant 10240 : i32
    %mul3A_10 = arith.muli %arg1, %mul3A_9 : i32
    %broadcast_in_dim3A = arith.constant 1.000000e+00 : f32
    %broadcast_in_dim3A_11 = vector.broadcast %broadcast_in_dim3A : f32 to vector<16xf32>
    %eq3A = arith.constant 0 : i32
    %eq3A_12 = arith.cmpi eq, %arg0, %eq3A : i32
    %convert_element_type3A_13 = arith.extui %eq3A_12 : i1 to i32
    %cond3A_14 = arith.constant 0 : i32
    %cond3A_15 = arith.cmpi ne, %convert_element_type3A_13, %cond3A_14 : i32
    scf.if %cond3A_15 {
      %scan3A_27 = arith.constant 0 : i32
      %scan3A_28 = arith.constant 0 : i32
      %scan3A_29 = arith.constant 10 : i32
      %scan3A_30 = arith.addi %scan3A_28, %scan3A_29 : i32
      %scan3A_31 = arith.constant 1 : i32
      %scan3A_32 = scf.for %scan3A_34 = %scan3A_28 to %scan3A_30 step %scan3A_31 iter_args(%scan3A_35 = %scan3A_27) -> (i32)  : i32 {
        %mul3A_36 = arith.constant 1024 : i32
        %mul3A_37 = arith.muli %scan3A_34, %mul3A_36 : i32
        %add3A = arith.addi %mul3A_10, %mul3A_37 : i32
        "tpu.region"() ({
          %run_scoped3A = tpu.sem_alloc : memref<!tpu.dma_semaphore, #tpu.memory_space<semaphore_mem>>
          %dma_start3A = tpu.memref_slice %arg2[%add3A] : memref<163840xi32, #tpu.memory_space<hbm>> -> memref<1024xi32, #tpu.memory_space<hbm>>
          %dma_start3A_46 = tpu.memref_slice %arg2[%add3A] : memref<163840xi32, #tpu.memory_space<hbm>> -> memref<1024xi32, #tpu.memory_space<hbm>>
          tpu.enqueue_dma source(%dma_start3A_46 : memref<1024xi32, #tpu.memory_space<hbm>>) target(%arg8 : memref<1024xi32, #tpu.memory_space<vmem>>) target_semaphore(%run_scoped3A : memref<!tpu.dma_semaphore, #tpu.memory_space<semaphore_mem>>)
          %dma_wait3A = tpu.memref_slice %arg2[%add3A] : memref<163840xi32, #tpu.memory_space<hbm>> -> memref<1024xi32, #tpu.memory_space<hbm>>
          %dma_wait3A_47 = tpu.memref_slice %arg2[%add3A] : memref<163840xi32, #tpu.memory_space<hbm>> -> memref<1024xi32, #tpu.memory_space<hbm>>
          tpu.wait_dma2 semaphore(%run_scoped3A : memref<!tpu.dma_semaphore, #tpu.memory_space<semaphore_mem>>) src(%dma_wait3A_47 : memref<1024xi32, #tpu.memory_space<hbm>>) dst(%arg8 : memref<1024xi32, #tpu.memory_space<vmem>>)
          tpu.yield
        }) : () -> ()
        %scan3A_38 = arith.constant 0 : i32
        %scan3A_39 = arith.constant 0 : i32
        %scan3A_40 = arith.constant 64 : i32
        %scan3A_41 = arith.addi %scan3A_39, %scan3A_40 : i32
        %scan3A_42 = arith.constant 1 : i32
        %scan3A_43 = scf.for %scan3A_46 = %scan3A_39 to %scan3A_41 step %scan3A_42 iter_args(%scan3A_47 = %scan3A_38) -> (i32)  : i32 {
          %mul3A_48 = arith.constant 16 : i32
          %mul3A_49 = arith.muli %scan3A_46, %mul3A_48 : i32
          %get3A = arith.index_cast %mul3A_49 : i32 to index
          %get3A_50 = tpu.vector_load %arg8[%get3A] {strides = array<i32>} : memref<1024xi32, #tpu.memory_space<vmem>>, vector<16xi32>,
          %shift_right_arithmetic3A = arith.constant 7 : i32
          %shift_right_arithmetic3A_51 = vector.broadcast %shift_right_arithmetic3A : i32 to vector<16xi32>
          %shift_right_arithmetic3A_52 = arith.shrsi %get3A_50, %shift_right_arithmetic3A_51 : vector<16xi32>
          %and3A = arith.constant 127 : i32
          %and3A_53 = vector.broadcast %and3A : i32 to vector<16xi32>
          %and3A_54 = arith.andi %get3A_50, %and3A_53 : vector<16xi32>
          tpu.vector_store_idx %arg7[%shift_right_arithmetic3A_52, %and3A_54], %broadcast_in_dim3A_11 {add = true} : memref<80x128xf32, #tpu.memory_space<vmem>>[vector<16xi32>, vector<16xi32>], vector<16xf32>,
          %scan3A_55 = arith.constant 0 : i32
          scf.yield %scan3A_55 : i32
        }
        %scan3A_44 = arith.constant 64 : i32
        %scan3A_45 = arith.constant 0 : i32
        scf.yield %scan3A_45 : i32
      }
      %scan3A_33 = arith.constant 10 : i32
    } else {
    }
    %eq3A_16 = arith.constant 1 : i32
    %eq3A_17 = arith.cmpi eq, %arg0, %eq3A_16 : i32
    %convert_element_type3A_18 = arith.extui %eq3A_17 : i1 to i32
    %cond3A_19 = arith.constant 0 : i32
    %cond3A_20 = arith.cmpi ne, %convert_element_type3A_18, %cond3A_19 : i32
    scf.if %cond3A_20 {
      %scan3A_27 = arith.constant 0 : i32
      %scan3A_28 = arith.constant 0 : i32
      %scan3A_29 = arith.constant 10 : i32
      %scan3A_30 = arith.addi %scan3A_28, %scan3A_29 : i32
      %scan3A_31 = arith.constant 1 : i32
      %scan3A_32 = scf.for %scan3A_34 = %scan3A_28 to %scan3A_30 step %scan3A_31 iter_args(%scan3A_35 = %scan3A_27) -> (i32)  : i32 {
        %mul3A_36 = arith.constant 1024 : i32
        %mul3A_37 = arith.muli %scan3A_34, %mul3A_36 : i32
        %add3A = arith.addi %mul3A_10, %mul3A_37 : i32
        "tpu.region"() ({
          %run_scoped3A = tpu.sem_alloc : memref<!tpu.dma_semaphore, #tpu.memory_space<semaphore_mem>>
          %dma_start3A = tpu.memref_slice %arg3[%add3A] : memref<163840xi32, #tpu.memory_space<hbm>> -> memref<1024xi32, #tpu.memory_space<hbm>>
          %dma_start3A_46 = tpu.memref_slice %arg3[%add3A] : memref<163840xi32, #tpu.memory_space<hbm>> -> memref<1024xi32, #tpu.memory_space<hbm>>
          tpu.enqueue_dma source(%dma_start3A_46 : memref<1024xi32, #tpu.memory_space<hbm>>) target(%arg8 : memref<1024xi32, #tpu.memory_space<vmem>>) target_semaphore(%run_scoped3A : memref<!tpu.dma_semaphore, #tpu.memory_space<semaphore_mem>>)
          %dma_wait3A = tpu.memref_slice %arg3[%add3A] : memref<163840xi32, #tpu.memory_space<hbm>> -> memref<1024xi32, #tpu.memory_space<hbm>>
          %dma_wait3A_47 = tpu.memref_slice %arg3[%add3A] : memref<163840xi32, #tpu.memory_space<hbm>> -> memref<1024xi32, #tpu.memory_space<hbm>>
          tpu.wait_dma2 semaphore(%run_scoped3A : memref<!tpu.dma_semaphore, #tpu.memory_space<semaphore_mem>>) src(%dma_wait3A_47 : memref<1024xi32, #tpu.memory_space<hbm>>) dst(%arg8 : memref<1024xi32, #tpu.memory_space<vmem>>)
          tpu.yield
        }) : () -> ()
        %scan3A_38 = arith.constant 0 : i32
        %scan3A_39 = arith.constant 0 : i32
        %scan3A_40 = arith.constant 64 : i32
        %scan3A_41 = arith.addi %scan3A_39, %scan3A_40 : i32
        %scan3A_42 = arith.constant 1 : i32
        %scan3A_43 = scf.for %scan3A_46 = %scan3A_39 to %scan3A_41 step %scan3A_42 iter_args(%scan3A_47 = %scan3A_38) -> (i32)  : i32 {
          %mul3A_48 = arith.constant 16 : i32
          %mul3A_49 = arith.muli %scan3A_46, %mul3A_48 : i32
          %get3A = arith.index_cast %mul3A_49 : i32 to index
          %get3A_50 = tpu.vector_load %arg8[%get3A] {strides = array<i32>} : memref<1024xi32, #tpu.memory_space<vmem>>, vector<16xi32>,
          %shift_right_arithmetic3A = arith.constant 7 : i32
          %shift_right_arithmetic3A_51 = vector.broadcast %shift_right_arithmetic3A : i32 to vector<16xi32>
          %shift_right_arithmetic3A_52 = arith.shrsi %get3A_50, %shift_right_arithmetic3A_51 : vector<16xi32>
          %and3A = arith.constant 127 : i32
          %and3A_53 = vector.broadcast %and3A : i32 to vector<16xi32>
          %and3A_54 = arith.andi %get3A_50, %and3A_53 : vector<16xi32>
          tpu.vector_store_idx %arg7[%shift_right_arithmetic3A_52, %and3A_54], %broadcast_in_dim3A_11 {add = true} : memref<80x128xf32, #tpu.memory_space<vmem>>[vector<16xi32>, vector<16xi32>], vector<16xf32>,
          %scan3A_55 = arith.constant 0 : i32
          scf.yield %scan3A_55 : i32
        }
        %scan3A_44 = arith.constant 64 : i32
        %scan3A_45 = arith.constant 0 : i32
        scf.yield %scan3A_45 : i32
      }
      %scan3A_33 = arith.constant 10 : i32
    } else {
    }
    "tpu.region"() ({
      %run_scoped3A = tpu.sem_alloc : memref<!tpu.dma_semaphore, #tpu.memory_space<semaphore_mem>>
      %dma_start3A = arith.constant 0 : i32
      %dma_start3A_27 = arith.constant 0 : i32
      %dma_start3A_28 = tpu.memref_slice %arg6[%dma_start3A, %dma_start3A_27] : memref<80x128xf32, #tpu.memory_space<vmem_shared>> -> memref<80x128xf32, #tpu.memory_space<vmem_shared>>
      tpu.enqueue_indirect_dma source(%arg7 : memref<80x128xf32, #tpu.memory_space<vmem>>) target(%dma_start3A_28 : memref<80x128xf32, #tpu.memory_space<vmem_shared>>) offsets(%arg9 : memref<80xi32, #tpu.memory_space<vmem>>) semaphore(%run_scoped3A : memref<!tpu.dma_semaphore, #tpu.memory_space<semaphore_mem>>) {add = true}
      %dma_wait3A = arith.constant 0 : i32
      %dma_wait3A_29 = arith.constant 0 : i32
      %dma_wait3A_30 = tpu.memref_slice %arg6[%dma_wait3A, %dma_wait3A_29] : memref<80x128xf32, #tpu.memory_space<vmem_shared>> -> memref<80x128xf32, #tpu.memory_space<vmem_shared>>
      tpu.wait_indirect_dma semaphore(%run_scoped3A : memref<!tpu.dma_semaphore, #tpu.memory_space<semaphore_mem>>) src(%arg7 : memref<80x128xf32, #tpu.memory_space<vmem>>) dst(%dma_wait3A_30 : memref<80x128xf32, #tpu.memory_space<vmem_shared>>)
      tpu.yield
    }) : () -> ()
    %barrier3A_21 = arith.constant 0 : index
    tpu.barrier barrier_id(%barrier3A_21)
    %lt3A_22 = arith.constant 10 : i32
    %lt3A_23 = arith.cmpi slt, %arg1, %lt3A_22 : i32
    %convert_element_type3A_24 = arith.extui %lt3A_23 : i1 to i32
    %cond3A_25 = arith.constant 0 : i32
    %cond3A_26 = arith.cmpi ne, %convert_element_type3A_24, %cond3A_25 : i32
    scf.if %cond3A_26 {
      "tpu.region"() ({
        %run_scoped3A = tpu.sem_alloc : memref<!tpu.dma_semaphore, #tpu.memory_space<semaphore_mem>>
        %dma_start3A = arith.constant 0 : i32
        %dma_start3A_27 = arith.constant 0 : i32
        %dma_start3A_28 = tpu.memref_slice %arg7[%dma_start3A, %dma_start3A_27] : memref<80x128xf32, #tpu.memory_space<vmem>> -> memref<8x128xf32, #tpu.memory_space<vmem>>
        %dma_start3A_29 = arith.constant 0 : i32
        %dma_start3A_30 = tpu.memref_slice %arg6[%mul3A_6, %dma_start3A_29] : memref<80x128xf32, #tpu.memory_space<vmem_shared>> -> memref<8x128xf32, #tpu.memory_space<vmem_shared>>
        %dma_start3A_31 = arith.constant 0 : i32
        %dma_start3A_32 = arith.constant 0 : i32
        %dma_start3A_33 = tpu.memref_slice %arg7[%dma_start3A_31, %dma_start3A_32] : memref<80x128xf32, #tpu.memory_space<vmem>> -> memref<8x128xf32, #tpu.memory_space<vmem>>
        %dma_start3A_34 = arith.constant 0 : i32
        %dma_start3A_35 = tpu.memref_slice %arg6[%mul3A_6, %dma_start3A_34] : memref<80x128xf32, #tpu.memory_space<vmem_shared>> -> memref<8x128xf32, #tpu.memory_space<vmem_shared>>
        tpu.enqueue_dma source(%dma_start3A_35 : memref<8x128xf32, #tpu.memory_space<vmem_shared>>) target(%dma_start3A_33 : memref<8x128xf32, #tpu.memory_space<vmem>>) target_semaphore(%run_scoped3A : memref<!tpu.dma_semaphore, #tpu.memory_space<semaphore_mem>>)
        %dma_wait3A = arith.constant 0 : i32
        %dma_wait3A_36 = arith.constant 0 : i32
        %dma_wait3A_37 = tpu.memref_slice %arg7[%dma_wait3A, %dma_wait3A_36] : memref<80x128xf32, #tpu.memory_space<vmem>> -> memref<8x128xf32, #tpu.memory_space<vmem>>
        %dma_wait3A_38 = arith.constant 0 : i32
        %dma_wait3A_39 = tpu.memref_slice %arg6[%mul3A_6, %dma_wait3A_38] : memref<80x128xf32, #tpu.memory_space<vmem_shared>> -> memref<8x128xf32, #tpu.memory_space<vmem_shared>>
        %dma_wait3A_40 = arith.constant 0 : i32
        %dma_wait3A_41 = arith.constant 0 : i32
        %dma_wait3A_42 = tpu.memref_slice %arg7[%dma_wait3A_40, %dma_wait3A_41] : memref<80x128xf32, #tpu.memory_space<vmem>> -> memref<8x128xf32, #tpu.memory_space<vmem>>
        %dma_wait3A_43 = arith.constant 0 : i32
        %dma_wait3A_44 = tpu.memref_slice %arg6[%mul3A_6, %dma_wait3A_43] : memref<80x128xf32, #tpu.memory_space<vmem_shared>> -> memref<8x128xf32, #tpu.memory_space<vmem_shared>>
        tpu.wait_dma2 semaphore(%run_scoped3A : memref<!tpu.dma_semaphore, #tpu.memory_space<semaphore_mem>>) src(%dma_wait3A_44 : memref<8x128xf32, #tpu.memory_space<vmem_shared>>) dst(%dma_wait3A_42 : memref<8x128xf32, #tpu.memory_space<vmem>>)
        tpu.yield
      }) : () -> ()
      "tpu.region"() ({
        %run_scoped3A = tpu.sem_alloc : memref<!tpu.dma_semaphore, #tpu.memory_space<semaphore_mem>>
        %dma_start3A = arith.constant 0 : i32
        %dma_start3A_27 = arith.constant 0 : i32
        %dma_start3A_28 = tpu.memref_slice %arg7[%dma_start3A, %dma_start3A_27] : memref<80x128xf32, #tpu.memory_space<vmem>> -> memref<8x128xf32, #tpu.memory_space<vmem>>
        %dma_start3A_29 = arith.constant 0 : i32
        %dma_start3A_30 = tpu.memref_slice %arg5[%arg0, %mul3A_6, %dma_start3A_29] : memref<2x80x128xf32, #tpu.memory_space<hbm>> -> memref<1x8x128xf32, #tpu.memory_space<hbm>>
        %dma_start3A_31 = tpu.memref_squeeze %dma_start3A_30 : memref<1x8x128xf32, #tpu.memory_space<hbm>> -> memref<8x128xf32, #tpu.memory_space<hbm>>
        %dma_start3A_32 = arith.constant 0 : i32
        %dma_start3A_33 = tpu.memref_slice %arg5[%arg0, %mul3A_6, %dma_start3A_32] : memref<2x80x128xf32, #tpu.memory_space<hbm>> -> memref<1x8x128xf32, #tpu.memory_space<hbm>>
        %dma_start3A_34 = tpu.memref_squeeze %dma_start3A_33 : memref<1x8x128xf32, #tpu.memory_space<hbm>> -> memref<8x128xf32, #tpu.memory_space<hbm>>
        %dma_start3A_35 = arith.constant 0 : i32
        %dma_start3A_36 = arith.constant 0 : i32
        %dma_start3A_37 = tpu.memref_slice %arg7[%dma_start3A_35, %dma_start3A_36] : memref<80x128xf32, #tpu.memory_space<vmem>> -> memref<8x128xf32, #tpu.memory_space<vmem>>
        tpu.enqueue_dma source(%dma_start3A_37 : memref<8x128xf32, #tpu.memory_space<vmem>>) target(%dma_start3A_34 : memref<8x128xf32, #tpu.memory_space<hbm>>) target_semaphore(%run_scoped3A : memref<!tpu.dma_semaphore, #tpu.memory_space<semaphore_mem>>)
        %dma_wait3A = arith.constant 0 : i32
        %dma_wait3A_38 = arith.constant 0 : i32
        %dma_wait3A_39 = tpu.memref_slice %arg7[%dma_wait3A, %dma_wait3A_38] : memref<80x128xf32, #tpu.memory_space<vmem>> -> memref<8x128xf32, #tpu.memory_space<vmem>>
        %dma_wait3A_40 = arith.constant 0 : i32
        %dma_wait3A_41 = tpu.memref_slice %arg5[%arg0, %mul3A_6, %dma_wait3A_40] : memref<2x80x128xf32, #tpu.memory_space<hbm>> -> memref<1x8x128xf32, #tpu.memory_space<hbm>>
        %dma_wait3A_42 = tpu.memref_squeeze %dma_wait3A_41 : memref<1x8x128xf32, #tpu.memory_space<hbm>> -> memref<8x128xf32, #tpu.memory_space<hbm>>
        %dma_wait3A_43 = arith.constant 0 : i32
        %dma_wait3A_44 = tpu.memref_slice %arg5[%arg0, %mul3A_6, %dma_wait3A_43] : memref<2x80x128xf32, #tpu.memory_space<hbm>> -> memref<1x8x128xf32, #tpu.memory_space<hbm>>
        %dma_wait3A_45 = tpu.memref_squeeze %dma_wait3A_44 : memref<1x8x128xf32, #tpu.memory_space<hbm>> -> memref<8x128xf32, #tpu.memory_space<hbm>>
        %dma_wait3A_46 = arith.constant 0 : i32
        %dma_wait3A_47 = arith.constant 0 : i32
        %dma_wait3A_48 = tpu.memref_slice %arg7[%dma_wait3A_46, %dma_wait3A_47] : memref<80x128xf32, #tpu.memory_space<vmem>> -> memref<8x128xf32, #tpu.memory_space<vmem>>
        tpu.wait_dma2 semaphore(%run_scoped3A : memref<!tpu.dma_semaphore, #tpu.memory_space<semaphore_mem>>) src(%dma_wait3A_48 : memref<8x128xf32, #tpu.memory_space<vmem>>) dst(%dma_wait3A_45 : memref<8x128xf32, #tpu.memory_space<hbm>>)
        tpu.yield
      }) : () -> ()
    } else {
    }
    return
  }
}

</mosaic_0001>

<sc_bundles>
// kernel: _deg_call.3.cloned.1.call-start
scs
__scs_entry_jumppad:
0x0: {  	(pc) =	sbr.rel $0x88, $3  }
0x1: {  	(tag) =	ssettag $0x0;
	lr =	simm.s32 $0x1  }
0x2: {  	[smem:$0x3F9E] =	sst lr;
	_ =	strace $0xD0000000  }
0x3: {  	_ = 	snop  }
0x4: {  	_ = 	snop  }
0x5: {  	_ = 	snop  }
0x6: {  	_ = 	snop  }
0x7: {  	_ = 	snop  }
__scs_overlays_trampoline_lowered:
0x8: {  	[smem:$0x3FAD] =	sst s0  }
0x9: {  	[smem:$0x3FAE] =	sst s1  }
0xa: {  	[smem:$0x3FAF] =	sst s2  }
0xb: {  	[smem:$0x3FB0] =	sst s3  }
0xc: {  	[smem:$0x3FB1] =	sst s4  }
0xd: {  	[smem:$0x3FB2] =	sst s5  }
0xe: {  	[smem:$0x3FB3] =	sst s6  }
0xf: {  	[smem:$0x3FB4] =	sst s7  }
0x10: {  	[smem:$0x3FB5] =	sst s8  }
0x11: {  	[smem:$0x3FB6] =	sst s9;
	s0 =	simm.s32 @!p0 $0x0  }
0x12: {  	s1 =	sld [smem:$0x3F9C];
	s0 =	simm.s32 @p0 $0x1  }
0x13: {  	[smem:$0x3FB7] =	sst s0;
	s0 =	simm.s32 @!p1 $0x0  }
0x14: {  	s2 =	sld [smem:$0x3F9B];
	s0 =	simm.s32 @p1 $0x1  }
0x15: {  	[smem:$0x3FB8] =	sst s0;
	s0 =	simm.s32 @!p2 $0x0  }
0x16: {  	s3 =	sld [smem:$0x3FDB];
	s0 =	simm.s32 @p2 $0x1  }
0x17: {  	s4 =	simm.s32 $0x1BF5;
	[smem:$0x3FBA] =	sst s0  }
0x18: {  	s0 =	sld [smem:$0x3F9D];
	_ =	swait.ge [sflag:s4], $0x0  }
0x19: {  	s7 =	sld [smem:$0x3F9E]  }
0x1a: {  	s8 =	sadd.s32 $0xFFFFE003, lr  }
0x1b: {  	s9 =	sadd.s32 $0xFFFFFEF7, lr;
	s5 =	simm.s32 $0xFFFFFFFF;
	p2 =	slt.u32 s8, $0xFFFFF086  }
0x1c: {  	p1 =	slt.u32 s9, $0xF7A;
	s5 =	simm.s32 @!p2 $0x0  }
0x1d: {  	s5 =	simm.s32 @p1 $0x1;
	p0 =	seq.s32 s7, s2  }
0x1e: {  	s7 =	smul.u32 @!p0 $0xF7A, s2;
	p2 =	seq.s32 @!p0 s5, $0x0  }
0x1f: {  	s9 =	smul.u32 $0xF7A, s1;
	s8 =	simm.s32 @!p0 $0x1BF5;
	p2 =	por !p2, p0  }
0x20: {  	[sflag:s8] =	ssyncset.s32 @!p0 $0xFFFFF086;
	s6 =	sadd.s32 @!p0 s3, s7;
	s7 =	simm.s32 @!p0 $0x108  }
0x21: {  	s3 =	sadd.s32 s3, s9;
	s6 =	sadd.s32 @!p0 $0x88, s6;
	s7 =	simm.s32 @p2 $0x1082  }
0x22: {  	[simem:s7], [sflag:s8] =	dma.local @!p0 [hbm:s6], $0xF7A  }
0x23: {  	s9 =	sor.u32 $0xD0000000, s2;
	s6 =	simm.s32 $0x108;
	_ =	swait.ge @!p0 [sflag:s8], $0x0  }
0x24: {  	s3 =	sadd.s32 $0x88, s3;
	s6 =	simm.s32 @!p1 $0x1082;
	[sflag:s4] =	ssyncset.s32 $0xFFFFF086  }
0x25: {  	[simem:s6], [sflag:s4] =	dma.local [hbm:s3], $0xF7A  }
0x26: {  	[smem:$0x3F9E] =	sst s1;
	(tag) =	ssettag s2;
	_ =	strace s9  }
0x27: {  	s1 =	sld [smem:$0x3FAE]  }
0x28: {  	s2 =	sld [smem:$0x3FAF]  }
0x29: {  	s4 =	sld [smem:$0x3FB1]  }
0x2a: {  	p0 =	seq.s32 s5, $0x0;
	s5 =	sld [smem:$0x3FB2]  }
0x2b: {  	s6 =	sld [smem:$0x3FB3]  }
0x2c: {  	s7 =	sld [smem:$0x3FB4]  }
0x2d: {  	s3 =	simm.s32 $0x108;
	s8 =	sld [smem:$0x3FB5]  }
0x2e: {  	s3 =	simm.s32 @!p0 $0x1082;
	s9 =	sld [smem:$0x3FB6]  }
0x2f: {  	lr =	sadd.s32 s0, s3;
	s0 =	sld [smem:$0x3FAD]  }
0x30: {  	s3 =	sld [smem:$0x3FB0]  }
0x31: {  	[smem:$0x3FB9] =	sst s10  }
0x32: {  	s10 =	sld [smem:$0x3FB7];
	_ =	sdelay $0x3  }
0x33: {  	p0 =	seq.s32 s10, $0x1;
	s10 =	sld [smem:$0x3FB9];
	_ =	sdelay $0x3  }
0x34: {  	[smem:$0x3FB9] =	sst s10  }
0x35: {  	s10 =	sld [smem:$0x3FB8];
	_ =	sdelay $0x3  }
0x36: {  	p1 =	seq.s32 s10, $0x1;
	s10 =	sld [smem:$0x3FB9];
	_ =	sdelay $0x3  }
0x37: {  	[smem:$0x3FB9] =	sst s10  }
0x38: {  	s10 =	sld [smem:$0x3FBA]  }
0x39: {  	_ = 	snop;
	(pc) =	sbr.ind lr, $3  }
0x3a: {  	_ = 	snop  }
0x3b: {  	_ = 	snop  }
0x3c: {  	p2 =	seq.s32 s10, $0x1;
	s10 =	sld [smem:$0x3FB9]  }
0x3d: {  	_ =	shalt  }
0x3e: {  	_ =	shalt  }
0x3f: {  	_ =	shalt  }
0x40: {  	_ =	shalt  }
0x41: {  	_ =	shalt  }
0x42: {  	_ =	shalt  }
0x43: {  	_ =	shalt  }
0x44: {  	_ =	shalt  }
0x45: {  	_ =	shalt  }
0x46: {  	_ =	shalt  }
0x47: {  	_ =	shalt  }
0x48: {  	_ =	shalt  }
0x49: {  	_ =	shalt  }
0x4a: {  	_ =	shalt  }
0x4b: {  	_ =	shalt  }
0x4c: {  	_ =	shalt  }
0x4d: {  	_ =	shalt  }
0x4e: {  	_ =	shalt  }
0x4f: {  	_ =	shalt  }
0x50: {  	_ =	shalt  }
0x51: {  	_ =	shalt  }
0x52: {  	_ =	shalt  }
0x53: {  	_ =	shalt  }
0x54: {  	_ =	shalt  }
0x55: {  	_ =	shalt  }
0x56: {  	_ =	shalt  }
0x57: {  	_ =	shalt  }
0x58: {  	_ =	shalt  }
0x59: {  	_ =	shalt  }
0x5a: {  	_ =	shalt  }
0x5b: {  	_ =	shalt  }
0x5c: {  	_ =	shalt  }
0x5d: {  	_ =	shalt  }
0x5e: {  	_ =	shalt  }
0x5f: {  	_ =	shalt  }
0x60: {  	_ =	shalt  }
0x61: {  	_ =	shalt  }
0x62: {  	_ =	shalt  }
0x63: {  	_ =	shalt  }
0x64: {  	_ =	shalt  }
0x65: {  	_ =	shalt  }
0x66: {  	_ =	shalt  }
0x67: {  	_ =	shalt  }
0x68: {  	_ =	shalt  }
0x69: {  	_ =	shalt  }
0x6a: {  	_ =	shalt  }
0x6b: {  	_ =	shalt  }
0x6c: {  	_ =	shalt  }
0x6d: {  	_ =	shalt  }
0x6e: {  	_ =	shalt  }
0x6f: {  	_ =	shalt  }
0x70: {  	_ =	shalt  }
0x71: {  	_ =	shalt  }
0x72: {  	_ =	shalt  }
0x73: {  	_ =	shalt  }
0x74: {  	_ =	shalt  }
0x75: {  	_ =	shalt  }
0x76: {  	_ =	shalt  }
0x77: {  	_ =	shalt  }
0x78: {  	_ =	shalt  }
0x79: {  	_ =	shalt  }
0x7a: {  	_ =	shalt  }
0x7b: {  	_ =	shalt  }
0x7c: {  	_ =	shalt  }
0x7d: {  	_ =	shalt  }
0x7e: {  	_ =	shalt  }
0x7f: {  	_ =	shalt  }
0x80: {  	_ =	shalt  }
0x81: {  	_ =	shalt  }
0x82: {  	_ =	shalt  }
0x83: {  	_ =	shalt  }
0x84: {  	_ =	shalt  }
0x85: {  	_ =	shalt  }
0x86: {  	_ =	shalt  }
0x87: {  	_ =	shalt  }
.Lfunc_end0:
.L_simem_size_0:
called_computation_lowered:
.L_overlay_start_0:
0x88: {  	s2 =	sld [smem:$0x3FD9]  }
0x89: {  	s3 =	sld [smem:$0x3FFE];
	_ =	sdelay $0x1  }
0x8a: {  	s1 =	srdreg.scid  }
0x8b: {  	s0 =	sand.u32 $0x1, s1  }
0x8c: {  	s18 =	sshll.u32 s0, $0xA;
	s2 =	sadd.s32 s3, s2  }
0x8d: {  	s2 =	sadd.s32 s2, s18  }
0x8e: {  	[smem:$0x3FC5] =	sst s2  }
0x8f: {  	_ = 	snop  }
0x90: {  	s2 =	sld [smem:$0x3FC9]  }
0x91: {  	s19 =	sld [smem:$0x3FC8]  }
0x92: {  	s4 =	sld [smem:$0x3FC7]  }
0x93: {  	s5 =	sld [smem:$0x3FD0];
	(tm) =	ssettm $0x1  }
0x94: {  	s6 =	sld [smem:$0x3FFB];
	_ =	sdelay $0x3  }
0x95: {  	_ =	strace s6  }
0x96: {  	s6 =	sld [smem:$0x3FFC];
	_ =	sdelay $0x3  }
0x97: {  	_ =	strace s6  }
0x98: {  	s6 =	sld [smem:$0x3FFD];
	_ =	sdelay $0x3  }
0x99: {  	_ =	strace s6  }
0x9a: {  	_ =	strace $0x8FFFFFFF  }
0x9b: {  	s20 =	sld [smem:$0x3FDB];
	_ =	sdelay $0x1  }
0x9c: {  	s7 =	simm.s32 $_scs_section_size  }
0x9d: {  	s8 =	simm.s32 $_size__tile_overlayer_lowered;
	s9 =	simm.s32 $_tile_overlayer_lowered  }
0x9e: {  	s23 =	simm.s32 $0x1BFF;
	s22 =	sshll.u32 s9, $0x1;
	s6 =	sadd.s32 s7, s20  }
0x9f: {  	s10 =	simm.s32 $0x0;
	s21 =	sshll.u32 s8, $0x1;
	s8 =	sadd.s32 s22, s6  }
0xa0: {  	[timem:s10], [sflag:s23] =	dma.local [hbm:s8], s21  }
0xa1: {  	_ =	swait.ge [sflag:s23], s21  }
0xa2: {  	s7 =	ssub.s32 $0x0, s21;
	[sflag:s23] =	ssyncset.done $0x0  }
0xa3: {  	[sflag:s23] =	ssyncadd.s32 s7;
	_ =	sdelay $0x1  }
0xa4: {  	s24 =	simm.s32 $0x1B8B  }
0xa5: {  	_ =	swait.ge [sflag:s24], $0x1  }
0xa6: {  	[sflag:s24] =	ssyncset.done $0x0  }
0xa7: {  	s25 =	simm.s32 $0x1B8E;
	[sflag:s24] =	ssyncadd.s32 $0xFFFFFFFF  }
0xa8: {  	s26 =	simm.s32 $execute0_lowered;
	[smem:$0x3FD2] =	sst s25  }
0xa9: {  	s7 =	sshll.u32 s26, $0x1;
	_ =	strace $0x80000046;
	[dreg:$0x1] =	wrdreg $0xFFFFFFFF  }
0xaa: {  	s28 =	simm.s32 $_size_execute0_lowered;
	s6 =	sadd.s32 s6, s7;
	[dreg:$0x0] =	wrdreg $0x0  }
0xab: {  	s7 =	sshll.u32 s28, $0x1;
	[dreg:$0x2] =	wrdreg s6  }
0xac: {  	[dreg:$0x3] =	wrdreg s7  }
0xad: {  	[dreg:$0x4] =	wrdreg $0xC0  }
0xae: {  	_ =	task [dreg:s10], $0x5FFFF  }
0xaf: {  	[dreg:$0x1] =	wrdreg $0xFFFFFFFF  }
0xb0: {  	[dreg:$0x0] =	wrdreg $0x60  }
0xb1: {  	[dreg:$0x2] =	wrdreg s2  }
0xb2: {  	[dreg:$0x3] =	wrdreg s19  }
0xb3: {  	[dreg:$0x4] =	wrdreg s4  }
0xb4: {  	[dreg:$0x5] =	wrdreg s5  }
0xb5: {  	[dreg:$0x6] =	wrdreg $0x0  }
0xb6: {  	[dreg:$0x7] =	wrdreg $0x9  }
0xb7: {  	_ =	task.clear_ibuf [dreg:s10], $0x8FFFF;
	_ =	strace $0x90000046  }
0xb8: {  	s29 =	simm.s32 $0x9;
	_ =	strace $0x80000048  }
0xb9: {  	_ =	swait.ge [sflag:s29], $0x1  }
0xba: {  	[sflag:s29] =	ssyncadd.s32 $0xFFFFFFFF  }
0xbb: {  	_ =	strace $0x90000048  }
0xbc: {  	_ =	sfence  }
0xbd: {  	s30 =	sld [smem:$0x0];
	_ =	sdelay $0x2  }
0xbe: {  	s31 =	sshll.u32 s1, $0xD;
	s1 =	sshrl.u32 s1, $0x2  }
0xbf: {  	s3 =	sand.u32 $0x4000, s31;
	s1 =	sadd.s32 s1, s30  }
0xc0: {  	s0 =	sor.u32 s3, s0;
	s1 =	sshll.u32 s1, $0x11  }
0xc1: {  	s0 =	sor.u32 s1, s0  }
0xc2: {  	s0 =	sadd.s32 $0x8F2B, s0  }
0xc3: {  	[sflag:s0] =	ssyncadd.remote.s32 $0x1  }
0xc4: {  	_ =	sfence.sel $0xFFFF  }
0xc5: {  	[dreg:$0x0] =	wrdreg $0xFFFFFFFF;
	(pc) =	sbr.abs _section_cstart, $3  }
0xc6: {  	[dreg:$0x1] =	wrdreg $0xFFFFFFFF  }
0xc7: {  	_ =	task.clear_ibuf [dreg:s10], $0x2FFFF;
	_ =	strace $0x9FFFFFFF  }
0xc8: {  	(tm) =	ssettm $0x7FFFFFFF  }
0xc9: {  	_ =	shalt  }
tec
execute0_lowered:
.L_overlay_start_1:
0x0: {  	(tag) =	ssettag $0x1  }
0x1: {  	s1 =	rddreg [dreg:$0x0]  }
0x2: {  	s2 =	rddreg [dreg:$0x1]  }
0x3: {  	s3 =	rddreg [dreg:$0x2]  }
0x4: {  	s9 =	rddreg [dreg:$0x3]  }
0x5: {  	s4 =	rddreg [dreg:$0x4]  }
0x6: {  	s5 =	srdreg.scid;
	s0 =	rddreg [dreg:$0x5]  }
0x7: {  	s6 =	simm.s32 $0x0;
	s14 =	simm.s32 $0x280;
	s15 =	simm.s32 $0x50  }
0x8: {  	s10 =	sand.u32 $0x1, s5;
	s5 =	stileid.u32;
	[smem:$0x7FF] =	sst s6  }
0x9: {  	s7 =	ssub.s32 $0x2, s10;
	s8 =	smul.u32 $0x2800, s10;
	s12 =	sshll.u32 s5, $0xA  }
.Ltmp0:
0xa: {  	_ =	strace $0x80000047;
	s11 =	sshrl.u32 s7, $0x1;
	(pc) =	sbr.rel .LBB2_1-.Ltmp0, $4  }
0xb: {  	p0 =	seq.s32 s10, $0x1;
	p1 =	sgt.u32 s5, $0x9;
	s11 =	ssub.s32 s7, s11  }
0xc: {  	s13 =	sadd.s32 s12, s8;
	s7 =	sadd.s32 s12, s4;
	s8 =	smul.u32 $0x2800, s5  }
0xd: {  	s12 =	simm.s32 $0x1;
	s31 =	sshrl.u32 s13, $0x3;
	s10 =	smax.u32 s11, $0x1  }
0xe: {  	v0 =	vimm.f32 $0.0e+00;
	v1 =	vimm.f32 $1.000000000e+00;
	s11 =	simm.s32 $0x2E80;
	s13 =	simm.s32 $0x2A80;
	s9 =	sadd.s32 s9, s31  }
.LBB2_10:
0xf: {  	[spmem:s4] =	stream.indirect.scatter.add.f32 [tilespmem:s14], [sflag:$0x1], $0x80, s11, s15, $0xb8;
	[tilespmem:$0x2F00] =	vst v63  }
0x10: {  	_ =	swait.ge [sflag:s12], $0x2800  }
0x11: {  	[sflag:s12] =	ssyncset.done $0x0  }
0x12: {  	[sflag:s12] =	ssyncadd.s32 $0xFFFFD800  }
0x13: {  	s16 =	simm.s32 @!p1 $0x280;
	s17 =	simm.s32 @!p1 $0x1;
	[bflag:$0x0] =	sbarrier.arrive $0xFFFF  }
0x14: {  	[tilespmem:s16], [sflag:$0x1] =	stream.linear.gather @!p1 [spmem:s7], $0x400, $0x38;
	[tilespmem:$0x2F00] =	vst v63  }
0x15: {  	s6 =	sadd.s32 $0x1, s6;
	_ =	swait.ge @!p1 [sflag:s17], $0x400  }
0x16: {  	p2 =	sne.s32 s6, s10;
	[sflag:s17] =	ssyncset.done @!p1 $0x0  }
.Ltmp1:
0x17: {  	s18 =	simm.s32 @!p1 $0x0;
	[sflag:s17] =	ssyncadd.s32 @!p1 $0xFFFFFC00;
	(pc) =	sbr.rel @!p2 .LBB2_11-.Ltmp1, $4  }
0x18: {  	[hbm4b:s9+s18] =	stream.linear.scatter @!p1 [tilespmem:s16], [sflag:$0x1], $0x400, $0x38;
	[tilespmem:$0x2F00] =	vst v63  }
0x19: {  	_ =	swait.ge @!p1 [sflag:s17], $0x400  }
0x1a: {  	[sflag:s17] =	ssyncset.done @!p1 $0x0  }
0x1b: {  	[sflag:s17] =	ssyncadd.s32 @!p1 $0xFFFFFC00  }
.LBB2_1:
0x1c: {  	s16 =	simm.s32 $0x0;
	s17 =	simm.s32 $0x200  }
.LBB2_2:
0x1d: {  	p2 =	sne.s32 s17, $0x9E00;
	[tilespmem:s16+$0x2F0] =	vst v0  }
0x1e: {  	[tilespmem:s16+$0x280] =	vst v0  }
0x1f: {  	[tilespmem:s16+$0x290] =	vst v0  }
.Ltmp2:
0x20: {  	[tilespmem:s16+$0x2A0] =	vst v0;
	(pc) =	sbr.rel @p2 .LBB2_2-.Ltmp2, $4  }
0x21: {  	[tilespmem:s16+$0x2B0] =	vst v0  }
0x22: {  	[tilespmem:s16+$0x2C0] =	vst v0  }
0x23: {  	[tilespmem:s16+$0x2D0] =	vst v0  }
0x24: {  	[tilespmem:s16+$0x2E0] =	vst v0;
	s16 =	sshra.s32 s17, $0x2;
	s17 =	sadd.s32 $0x200, s17  }
0x25: {  	[tilespmem:s16+$0x2F0] =	vst v0  }
0x26: {  	[tilespmem:s16+$0x280] =	vst v0  }
0x27: {  	[tilespmem:s16+$0x290] =	vst v0  }
0x28: {  	[tilespmem:s16+$0x2A0] =	vst v0  }
0x29: {  	[tilespmem:s16+$0x2B0] =	vst v0  }
0x2a: {  	[tilespmem:s16+$0x2C0] =	vst v0  }
0x2b: {  	[tilespmem:s16+$0x2D0] =	vst v0  }
0x2c: {  	[tilespmem:s16+$0x2E0] =	vst v0;
	s16 =	simm.s32 @!p1 $0x280  }
0x2d: {  	[spmem:s7] =	stream.linear.scatter @!p1 [tilespmem:s16], [sflag:$0x1], $0x400, $0x38;
	[tilespmem:$0x2F00] =	vst v63  }
0x2e: {  	s16 =	simm.s32 @!p1 $0x1  }
0x2f: {  	_ =	swait.ge @!p1 [sflag:s16], $0x400  }
0x30: {  	[sflag:s16] =	ssyncset.done @!p1 $0x0  }
0x31: {  	[sflag:s16] =	ssyncadd.s32 @!p1 $0xFFFFFC00;
	s16 =	simm.s32 $0x0  }
0x32: {  	[tilespmem:s11], [sflag:$0x1] =	stream.linear.gather [hbm4b:s3+s16], $0x80, $0x38;
	[tilespmem:$0x2F00] =	vst v63  }
.Ltmp3:
0x33: {  	_ =	swait.ge [sflag:s12], $0x80;
	(pc) =	sbr.rel @!p0 .LBB2_4-.Ltmp3, $4  }
0x34: {  	[sflag:s12] =	ssyncset.done $0x0  }
0x35: {  	[sflag:s12] =	ssyncadd.s32 $0xFFFFFF80  }
0x36: {  	[bflag:$0x0] =	sbarrier.arrive $0xFFFF  }
0x37: {  	s17 =	simm.s32 $0x0;
	s18 =	simm.s32 $0x0  }
.LBB2_7:
0x38: {  	s17 =	sshll.u32 s18, $0xA  }
0x39: {  	s17 =	sadd.s32 s8, s17  }
0x3a: {  	s17 =	sshrl.u32 s17, $0x3  }
0x3b: {  	s17 =	sadd.s32 s2, s17  }
0x3c: {  	[tilespmem:s13], [sflag:$0x1] =	stream.linear.gather [hbm4b:s17+s16], $0x400, $0x38;
	[tilespmem:$0x2F00] =	vst v63  }
0x3d: {  	_ =	swait.ge [sflag:s12], $0x400  }
0x3e: {  	[sflag:s12] =	ssyncset.done $0x0  }
0x3f: {  	s19 =	simm.s32 $0x0;
	s17 =	simm.s32 $0x40;
	[sflag:s12] =	ssyncadd.s32 $0xFFFFFC00  }
.LBB2_8:
0x40: {  	p2 =	sne.s32 s17, $0xFC0;
	v2 =	vld [tilespmem:s19+$0x2A80];
	_ =	sdelay $0x3  }
.Ltmp4:
0x41: {  	(pc) =	sbr.rel @p2 .LBB2_8-.Ltmp4, $2  }
0x42: {  	_ =	sdelay $0x2  }
0x43: {  	s19 =	sshra.s32 s17, $0x2;
	s17 =	sadd.s32 $0x40, s17;
	[tilespmem:v2+s14+$0x0] =	vst.idx.add.f32.msk $0xffff, v1  }
0x44: {  	v2 =	vld [tilespmem:s19+$0x2A80];
	_ =	sdelay $0x1  }
0x45: {  	s18 =	sadd.s32 $0x1, s18  }
0x46: {  	p2 =	sne.s32 s18, $0xA  }
.Ltmp5:
0x47: {  	_ = 	snop;
	(pc) =	sbr.rel @p2 .LBB2_7-.Ltmp5, $4  }
.Ltmp6:
0x48: {  	_ = 	snop;
	(pc) =	sbr.rel @!p2 .LBB2_10-.Ltmp6, $4  }
0x49: {  	_ = 	snop  }
0x4a: {  	_ = 	snop  }
0x4b: {  	[tilespmem:v2+s14+$0x0] =	vst.idx.add.f32.msk $0xffff, v1  }
0x4c: {  	_ = 	snop  }
.LBB2_4:
0x4d: {  	s18 =	sshll.u32 s17, $0xA  }
0x4e: {  	s18 =	sadd.s32 s8, s18  }
0x4f: {  	s18 =	sshrl.u32 s18, $0x3  }
0x50: {  	s18 =	sadd.s32 s1, s18  }
0x51: {  	[tilespmem:s13], [sflag:$0x1] =	stream.linear.gather [hbm4b:s18+s16], $0x400, $0x38;
	[tilespmem:$0x2F00] =	vst v63  }
0x52: {  	_ =	swait.ge [sflag:s12], $0x400  }
0x53: {  	[sflag:s12] =	ssyncset.done $0x0  }
0x54: {  	s19 =	simm.s32 $0x0;
	s18 =	simm.s32 $0x40;
	[sflag:s12] =	ssyncadd.s32 $0xFFFFFC00  }
.LBB2_5:
0x55: {  	p2 =	sne.s32 s18, $0xFC0;
	v2 =	vld [tilespmem:s19+$0x2A80];
	_ =	sdelay $0x3  }
.Ltmp7:
0x56: {  	(pc) =	sbr.rel @p2 .LBB2_5-.Ltmp7, $2  }
0x57: {  	_ =	sdelay $0x2  }
0x58: {  	s19 =	sshra.s32 s18, $0x2;
	s18 =	sadd.s32 $0x40, s18;
	[tilespmem:v2+s14+$0x0] =	vst.idx.add.f32.msk $0xffff, v1  }
0x59: {  	v2 =	vld [tilespmem:s19+$0x2A80];
	_ =	sdelay $0x1  }
0x5a: {  	s17 =	sadd.s32 $0x1, s17  }
0x5b: {  	p2 =	seq.s32 s17, $0xA  }
.Ltmp8:
0x5c: {  	_ = 	snop;
	(pc) =	sbr.rel @!p2 .LBB2_4-.Ltmp8, $4  }
.Ltmp9:
0x5d: {  	_ = 	snop;
	(pc) =	sbr.rel @p2 .LBB2_10-.Ltmp9, $4  }
0x5e: {  	_ = 	snop  }
0x5f: {  	_ = 	snop  }
0x60: {  	[tilespmem:v2+s14+$0x0] =	vst.idx.add.f32.msk $0xffff, v1  }
0x61: {  	_ = 	snop  }
.LBB2_11:
0x62: {  	_ =	sfence.sel $0x180000  }
0x63: {  	[bflag:$0x0] =	sbarrier.arrive $0xFFFF  }
0x64: {  	p0 =	sne.s32 s5, $0x0;
	_ =	strace $0x90000047  }
0x65: {  	s0 =	sadd.s32 @!p0 $0x100000, s0;
	[bflag:$0x2] =	sbarrier.arrive $0xFFFF  }
0x66: {  	[sflag:s0] =	ssyncadd.tile.s32 @!p0 $0x1;
	_ =	shalt  }
.Lfunc_end2:
_tile_overlayer_lowered:
.L_overlay_start_2:
0x67: {  	(tag) =	ssettag $0x2  }
0x68: {  	s0 =	rddreg [dreg:$0x0];
	s2 =	stileid.u32  }
0x69: {  	s1 =	rddreg [dreg:$0x1];
	p0 =	sne.s32 s2, $0x0  }
0x6a: {  	s3 =	rddreg [dreg:$0x2];
	[bflag:$0x3] =	sbarrier.arrive $0xFFFF;
	s2 =	simm.s32 @!p0 $0x1C01  }
0x6b: {  	[timem:s3], [sflag:s2] =	dma.local @!p0 [hbm:s0], s1  }
0x6c: {  	s0 =	simm.s32 @!p0 $0x1  }
0x6d: {  	_ =	swait.ge @!p0 [sflag:s0], s1  }
0x6e: {  	s1 =	ssub.s32 @!p0 $0x0, s1;
	[sflag:s0] =	ssyncset.done @!p0 $0x0  }
0x6f: {  	[sflag:s0] =	ssyncadd.s32 @!p0 s1  }
0x70: {  	[bflag:$0x3] =	sbarrier.arrive $0xFFFF  }
0x71: {  	_ =	shalt  }

</sc_bundles>
